<compile_context>
chip_gen: v7x
topology: tpu7x:2x2x1
jax: 0.10.2.dev20260603
libtpu: 0.0.44.dev20260713+nightly
codegen_flags: <defaults>
</compile_context>

<pallas_src>
import functools

import jax
import jax.numpy as jnp
from jax import lax
from jax.experimental import pallas as pl
from jax.experimental.pallas import tpu as pltpu
from jax.experimental.pallas import tpu_sc as plsc

_NUM_CORES = 2
_NUM_SUBCORES = 16
_NW = _NUM_CORES * _NUM_SUBCORES
_LANES = 16
_CH = 80
_NSLOT = 3


def _mesh():
    return plsc.VectorSubcoreMesh(
        core_axis_name="c",
        subcore_axis_name="s",
        num_cores=_NUM_CORES,
        num_subcores=_NUM_SUBCORES,
    )


@functools.partial(jax.jit, static_argnames=("bb", "ll", "zrow"))
def _sc_mask(idx_flat, slen, bb, ll, zrow):
    n_rows = bb * ll
    rpw = n_rows // _NW
    spw = bb // _NW

    @functools.partial(
        pl.kernel,
        out_type=jax.ShapeDtypeStruct((n_rows,), jnp.int32),
        mesh=_mesh(),
        compiler_params=pltpu.CompilerParams(use_tc_tiling_on_sc=False),
        scratch_types=[
            pltpu.VMEM((rpw,), jnp.int32),
            pltpu.VMEM((spw + _LANES,), jnp.int32),
        ],
    )
    def run(idx_hbm, slen_hbm, out_hbm, idxv, slen_v):
        wid = lax.axis_index("s") * _NUM_CORES + lax.axis_index("c")
        base = wid * rpw
        pltpu.sync_copy(
            slen_hbm.at[pl.ds(wid * spw, spw)], slen_v.at[pl.ds(0, spw)]
        )
        pltpu.sync_copy(idx_hbm.at[pl.ds(base, rpw)], idxv)

        lane = lax.iota(jnp.int32, _LANES)
        zv = jnp.full((_LANES,), zrow, jnp.int32)
        offs = [j * _LANES for j in range(ll // _LANES)]
        if ll % _LANES:
            offs.append(ll - _LANES)

        def mask_seq(i, carry):
            n = slen_v[pl.ds(i, _LANES)][0]
            nv = jnp.full((_LANES,), n, jnp.int32)
            b = i * ll
            for off in offs:
                iv = idxv[pl.ds(b + off, _LANES)]
                idxv[pl.ds(b + off, _LANES)] = jnp.where(
                    lane + off < nv, iv, zv
                )
            return carry

        lax.fori_loop(0, spw, mask_seq, 0)
        pltpu.sync_copy(idxv, out_hbm.at[pl.ds(base, rpw)])

    return run(idx_flat, slen)


@functools.partial(jax.jit, static_argnames=("dp",))
def _sc_gather(midx, table_p, dp):
    n_rows = midx.shape[0]
    rpw = n_rows // _NW
    cpw = rpw // _CH

    @functools.partial(
        pl.kernel,
        out_type=jax.ShapeDtypeStruct((n_rows, dp), jnp.float32),
        mesh=_mesh(),
        compiler_params=pltpu.CompilerParams(use_tc_tiling_on_sc=False),
        scratch_types=[
            pltpu.VMEM((rpw + _LANES,), jnp.int32),
            pltpu.VMEM((2, _CH, dp), jnp.float32),
            [pltpu.SemaphoreType.DMA] * 2,
        ],
    )
    def run(midx_hbm, table_hbm, out_hbm, idxv, bufs, gsems):
        wid = lax.axis_index("s") * _NUM_CORES + lax.axis_index("c")
        base = wid * rpw
        pltpu.sync_copy(midx_hbm.at[pl.ds(base, rpw)], idxv.at[pl.ds(0, rpw)])

        def g_start(c, slot):
            for k in range(_CH):
                r = idxv[pl.ds(c * _CH + k, _LANES)][0]
                pltpu.async_copy(
                    table_hbm.at[r], bufs.at[slot, k], gsems[slot]
                )

        def g_wait(slot):
            pltpu.make_async_copy(
                out_hbm.at[pl.ds(0, _CH)], bufs.at[slot], gsems[slot]
            ).wait()

        def w_sync(c, slot):
            pltpu.sync_copy(
                bufs.at[slot], out_hbm.at[pl.ds(base + c * _CH, _CH)]
            )

        g_start(0, 0)
        g_start(1, 1)

        def step(p, carry):
            c0 = 2 * p
            g_wait(0)
            w_sync(c0, 0)
            g_start(c0 + 2, 0)
            g_wait(1)
            w_sync(c0 + 1, 1)
            g_start(c0 + 3, 1)
            return carry

        lax.fori_loop(0, cpw // 2 - 1, step, 0)

        g_wait(0)
        w_sync(cpw - 2, 0)
        g_wait(1)
        w_sync(cpw - 1, 1)

    return run(midx, table_p)


def kernel(indices, seq_lengths, table):
    bb, ll = indices.shape
    vv, dd = table.shape
    dp = (dd + _LANES - 1) // _LANES * _LANES
    idx_flat = indices.reshape(bb * ll).astype(jnp.int32)
    slen = seq_lengths.astype(jnp.int32)
    table_p = jnp.pad(table.astype(jnp.float32), ((0, 8), (0, dp - dd)))
    midx = _sc_mask(idx_flat, slen, bb, ll, vv)
    out = _sc_gather(midx, table_p, dp)
    return out[:, :dd].reshape(bb, ll, dd)

# --- scband reference (transcript-rebuilt; emitter-appended) ---
"""Pipeline reference for scband-fast-text-layer-73830487818933 (READ-ONLY COPY).

The authoritative reference and input builder live on the scoring server;
editing this copy changes nothing except your own understanding.
"""

import jax, jax.numpy as jnp
import numpy as np

BATCH = 1024
MAX_LEN = 200
VOCAB = 100000
EMBED_DIM = 300

def setup_inputs(seed: int = 0) -> dict:
    key = jax.random.key(seed)
    k1, k2, k3 = jax.random.split(key, 3)
    indices = jax.random.randint(k1, (BATCH, MAX_LEN), 0, VOCAB, dtype=jnp.int64) if jax.config.jax_enable_x64 else jax.random.randint(k1, (BATCH, MAX_LEN), 0, VOCAB)
    seq_lengths = jax.random.randint(k2, (BATCH,), 1, MAX_LEN + 1)
    table = jax.random.normal(k3, (VOCAB, EMBED_DIM), dtype=jnp.float32) * 0.02
    return {"indices": indices, "seq_lengths": seq_lengths, "table": table}

def reference(indices, seq_lengths, table):
    # Tokenized form of FastTextLayer.forward: per-token embedding lookup
    # (fasttext_vectors[token] -> table[idx]), then zero-padding each sequence
    # out to the batch max length. Here sequences are pre-padded to MAX_LEN and
    # positions >= seq_lengths[i] are zeroed, matching torch.cat([emb, zeros]).
    emb = jnp.take(table, indices, axis=0)                     # [B, L, D] gather
    pos = jnp.arange(indices.shape[1])[None, :]                # [1, L]
    mask = (pos < seq_lengths[:, None]).astype(emb.dtype)      # [B, L]
    stacked_embeddings = emb * mask[:, :, None]                # zero out padding
    return stacked_embeddings

if __name__ == "__main__":
    import jax
    _d = setup_inputs()
    print(jax.jit(kernel)(*tuple(_d.values())))

</pallas_src>

<mosaic_0001>
#map = affine_map<(d0, d1) -> (0)>
module attributes {stable_mosaic.version = 14 : i64} {
  func.func @run(%arg0: i32, %arg1: i32, %arg2: memref<204800xi32, #tpu.memory_space<hbm>>, %arg3: memref<1024xi32, #tpu.memory_space<hbm>>, %arg4: memref<204800xi32, #tpu.memory_space<hbm>>, %arg5: memref<6400xi32, #tpu.memory_space<vmem>>, %arg6: memref<48xi32, #tpu.memory_space<vmem>>) attributes {dimension_semantics = [#tpu.dimension_semantics<core_parallel>, #tpu.dimension_semantics<subcore_parallel>], iteration_bounds = array<i64: 2, 16>, scalar_prefetch = 0 : i64, scratch_operands = 2 : i64, tpu.core_type = #tpu.core_type<sc_vector_subcore>, window_params = [{transform_indices = #map}, {transform_indices = #map}, {transform_indices = #map}]} {
    %mul3A = arith.constant 2 : i32
    %mul3A_0 = arith.muli %arg1, %mul3A : i32
    %add3A = arith.addi %mul3A_0, %arg0 : i32
    %mul3A_1 = arith.constant 6400 : i32
    %mul3A_2 = arith.muli %add3A, %mul3A_1 : i32
    %mul3A_3 = arith.constant 32 : i32
    %mul3A_4 = arith.muli %add3A, %mul3A_3 : i32
    "tpu.region"() ({
      %run_scoped3A = tpu.sem_alloc : memref<!tpu.dma_semaphore, #tpu.memory_space<semaphore_mem>>
      %dma_start3A = arith.constant 0 : i32
      %dma_start3A_11 = tpu.memref_slice %arg6[%dma_start3A] : memref<48xi32, #tpu.memory_space<vmem>> -> memref<32xi32, #tpu.memory_space<vmem>>
      %dma_start3A_12 = tpu.memref_slice %arg3[%mul3A_4] : memref<1024xi32, #tpu.memory_space<hbm>> -> memref<32xi32, #tpu.memory_space<hbm>>
      %dma_start3A_13 = arith.constant 0 : i32
      %dma_start3A_14 = tpu.memref_slice %arg6[%dma_start3A_13] : memref<48xi32, #tpu.memory_space<vmem>> -> memref<32xi32, #tpu.memory_space<vmem>>
      %dma_start3A_15 = tpu.memref_slice %arg3[%mul3A_4] : memref<1024xi32, #tpu.memory_space<hbm>> -> memref<32xi32, #tpu.memory_space<hbm>>
      tpu.enqueue_dma source(%dma_start3A_15 : memref<32xi32, #tpu.memory_space<hbm>>) target(%dma_start3A_14 : memref<32xi32, #tpu.memory_space<vmem>>) target_semaphore(%run_scoped3A : memref<!tpu.dma_semaphore, #tpu.memory_space<semaphore_mem>>)
      %dma_wait3A = arith.constant 0 : i32
      %dma_wait3A_16 = tpu.memref_slice %arg6[%dma_wait3A] : memref<48xi32, #tpu.memory_space<vmem>> -> memref<32xi32, #tpu.memory_space<vmem>>
      %dma_wait3A_17 = tpu.memref_slice %arg3[%mul3A_4] : memref<1024xi32, #tpu.memory_space<hbm>> -> memref<32xi32, #tpu.memory_space<hbm>>
      %dma_wait3A_18 = arith.constant 0 : i32
      %dma_wait3A_19 = tpu.memref_slice %arg6[%dma_wait3A_18] : memref<48xi32, #tpu.memory_space<vmem>> -> memref<32xi32, #tpu.memory_space<vmem>>
      %dma_wait3A_20 = tpu.memref_slice %arg3[%mul3A_4] : memref<1024xi32, #tpu.memory_space<hbm>> -> memref<32xi32, #tpu.memory_space<hbm>>
      tpu.wait_dma2 semaphore(%run_scoped3A : memref<!tpu.dma_semaphore, #tpu.memory_space<semaphore_mem>>) src(%dma_wait3A_20 : memref<32xi32, #tpu.memory_space<hbm>>) dst(%dma_wait3A_19 : memref<32xi32, #tpu.memory_space<vmem>>)
      tpu.yield
    }) : () -> ()
    "tpu.region"() ({
      %run_scoped3A = tpu.sem_alloc : memref<!tpu.dma_semaphore, #tpu.memory_space<semaphore_mem>>
      %dma_start3A = tpu.memref_slice %arg2[%mul3A_2] : memref<204800xi32, #tpu.memory_space<hbm>> -> memref<6400xi32, #tpu.memory_space<hbm>>
      %dma_start3A_11 = tpu.memref_slice %arg2[%mul3A_2] : memref<204800xi32, #tpu.memory_space<hbm>> -> memref<6400xi32, #tpu.memory_space<hbm>>
      tpu.enqueue_dma source(%dma_start3A_11 : memref<6400xi32, #tpu.memory_space<hbm>>) target(%arg5 : memref<6400xi32, #tpu.memory_space<vmem>>) target_semaphore(%run_scoped3A : memref<!tpu.dma_semaphore, #tpu.memory_space<semaphore_mem>>)
      %dma_wait3A = tpu.memref_slice %arg2[%mul3A_2] : memref<204800xi32, #tpu.memory_space<hbm>> -> memref<6400xi32, #tpu.memory_space<hbm>>
      %dma_wait3A_12 = tpu.memref_slice %arg2[%mul3A_2] : memref<204800xi32, #tpu.memory_space<hbm>> -> memref<6400xi32, #tpu.memory_space<hbm>>
      tpu.wait_dma2 semaphore(%run_scoped3A : memref<!tpu.dma_semaphore, #tpu.memory_space<semaphore_mem>>) src(%dma_wait3A_12 : memref<6400xi32, #tpu.memory_space<hbm>>) dst(%arg5 : memref<6400xi32, #tpu.memory_space<vmem>>)
      tpu.yield
    }) : () -> ()
    %iota3A = tpu.iota {dimensions = array<i32: 0>} : vector<16xi32>
    %broadcast_in_dim3A = arith.constant 100000 : i32
    %broadcast_in_dim3A_5 = vector.broadcast %broadcast_in_dim3A : i32 to vector<16xi32>
    %scan3A = arith.constant 0 : i32
    %scan3A_6 = arith.constant 0 : i32
    %scan3A_7 = arith.constant 32 : i32
    %scan3A_8 = arith.addi %scan3A_6, %scan3A_7 : i32
    %scan3A_9 = arith.constant 1 : i32
    scf.for %scan3A_11 = %scan3A_6 to %scan3A_8 step %scan3A_9  : i32 {
      %get3A = arith.index_cast %scan3A_11 : i32 to index
      %get3A_12 = tpu.vector_load %arg6[%get3A] {strides = array<i32>} : memref<48xi32, #tpu.memory_space<vmem>>, vector<16xi32>,
      %get3A_13 = vector.shape_cast %get3A_12 : vector<16xi32> to vector<16xi32>
      %slice3A = vector.extract_strided_slice %get3A_13 {offsets = [0], sizes = [1], strides = [1]} : vector<16xi32> to vector<1xi32>
      %squeeze3A = vector.extract %slice3A[0] : i32 from vector<1xi32>
      %broadcast_in_dim3A_14 = vector.broadcast %squeeze3A : i32 to vector<16xi32>
      %mul3A_15 = arith.constant 200 : i32
      %mul3A_16 = arith.muli %scan3A_11, %mul3A_15 : i32
      %add3A_17 = arith.constant 0 : i32
      %add3A_18 = arith.addi %mul3A_16, %add3A_17 : i32
      %get3A_19 = arith.index_cast %add3A_18 : i32 to index
      %get3A_20 = tpu.vector_load %arg5[%get3A_19] {strides = array<i32>} : memref<6400xi32, #tpu.memory_space<vmem>>, vector<16xi32>,
      %get3A_21 = vector.shape_cast %get3A_20 : vector<16xi32> to vector<16xi32>
      %add3A_22 = arith.constant 0 : i32
      %add3A_23 = vector.broadcast %add3A_22 : i32 to vector<16xi32>
      %add3A_24 = arith.addi %iota3A, %add3A_23 : vector<16xi32>
      %lt3A = arith.cmpi slt, %add3A_24, %broadcast_in_dim3A_14 : vector<16xi32>
      %select_n3A = arith.select %lt3A, %get3A_21, %broadcast_in_dim3A_5 : vector<16xi1>, vector<16xi32>
      %add3A_25 = arith.constant 0 : i32
      %add3A_26 = arith.addi %mul3A_16, %add3A_25 : i32
      %swap3A = arith.index_cast %add3A_26 : i32 to index
      %swap3A_27 = tpu.vector_load %arg5[%swap3A] {strides = array<i32>} : memref<6400xi32, #tpu.memory_space<vmem>>, vector<16xi32>,
      %swap3A_28 = vector.shape_cast %swap3A_27 : vector<16xi32> to vector<16xi32>
      %swap3A_29 = vector.shape_cast %select_n3A : vector<16xi32> to vector<16xi32>
      tpu.vector_store %arg5[%swap3A], %swap3A_29 {strides = array<i32>} : memref<6400xi32, #tpu.memory_space<vmem>>, vector<16xi32>,
      %add3A_30 = arith.constant 16 : i32
      %add3A_31 = arith.addi %mul3A_16, %add3A_30 : i32
      %get3A_32 = arith.index_cast %add3A_31 : i32 to index
      %get3A_33 = tpu.vector_load %arg5[%get3A_32] {strides = array<i32>} : memref<6400xi32, #tpu.memory_space<vmem>>, vector<16xi32>,
      %get3A_34 = vector.shape_cast %get3A_33 : vector<16xi32> to vector<16xi32>
      %add3A_35 = arith.constant 16 : i32
      %add3A_36 = vector.broadcast %add3A_35 : i32 to vector<16xi32>
      %add3A_37 = arith.addi %iota3A, %add3A_36 : vector<16xi32>
      %lt3A_38 = arith.cmpi slt, %add3A_37, %broadcast_in_dim3A_14 : vector<16xi32>
      %select_n3A_39 = arith.select %lt3A_38, %get3A_34, %broadcast_in_dim3A_5 : vector<16xi1>, vector<16xi32>
      %add3A_40 = arith.constant 16 : i32
      %add3A_41 = arith.addi %mul3A_16, %add3A_40 : i32
      %swap3A_42 = arith.index_cast %add3A_41 : i32 to index
      %swap3A_43 = tpu.vector_load %arg5[%swap3A_42] {strides = array<i32>} : memref<6400xi32, #tpu.memory_space<vmem>>, vector<16xi32>,
      %swap3A_44 = vector.shape_cast %swap3A_43 : vector<16xi32> to vector<16xi32>
      %swap3A_45 = vector.shape_cast %select_n3A_39 : vector<16xi32> to vector<16xi32>
      tpu.vector_store %arg5[%swap3A_42], %swap3A_45 {strides = array<i32>} : memref<6400xi32, #tpu.memory_space<vmem>>, vector<16xi32>,
      %add3A_46 = arith.constant 32 : i32
      %add3A_47 = arith.addi %mul3A_16, %add3A_46 : i32
      %get3A_48 = arith.index_cast %add3A_47 : i32 to index
      %get3A_49 = tpu.vector_load %arg5[%get3A_48] {strides = array<i32>} : memref<6400xi32, #tpu.memory_space<vmem>>, vector<16xi32>,
      %get3A_50 = vector.shape_cast %get3A_49 : vector<16xi32> to vector<16xi32>
      %add3A_51 = arith.constant 32 : i32
      %add3A_52 = vector.broadcast %add3A_51 : i32 to vector<16xi32>
      %add3A_53 = arith.addi %iota3A, %add3A_52 : vector<16xi32>
      %lt3A_54 = arith.cmpi slt, %add3A_53, %broadcast_in_dim3A_14 : vector<16xi32>
      %select_n3A_55 = arith.select %lt3A_54, %get3A_50, %broadcast_in_dim3A_5 : vector<16xi1>, vector<16xi32>
      %add3A_56 = arith.constant 32 : i32
      %add3A_57 = arith.addi %mul3A_16, %add3A_56 : i32
      %swap3A_58 = arith.index_cast %add3A_57 : i32 to index
      %swap3A_59 = tpu.vector_load %arg5[%swap3A_58] {strides = array<i32>} : memref<6400xi32, #tpu.memory_space<vmem>>, vector<16xi32>,
      %swap3A_60 = vector.shape_cast %swap3A_59 : vector<16xi32> to vector<16xi32>
      %swap3A_61 = vector.shape_cast %select_n3A_55 : vector<16xi32> to vector<16xi32>
      tpu.vector_store %arg5[%swap3A_58], %swap3A_61 {strides = array<i32>} : memref<6400xi32, #tpu.memory_space<vmem>>, vector<16xi32>,
      %add3A_62 = arith.constant 48 : i32
      %add3A_63 = arith.addi %mul3A_16, %add3A_62 : i32
      %get3A_64 = arith.index_cast %add3A_63 : i32 to index
      %get3A_65 = tpu.vector_load %arg5[%get3A_64] {strides = array<i32>} : memref<6400xi32, #tpu.memory_space<vmem>>, vector<16xi32>,
      %get3A_66 = vector.shape_cast %get3A_65 : vector<16xi32> to vector<16xi32>
      %add3A_67 = arith.constant 48 : i32
      %add3A_68 = vector.broadcast %add3A_67 : i32 to vector<16xi32>
      %add3A_69 = arith.addi %iota3A, %add3A_68 : vector<16xi32>
      %lt3A_70 = arith.cmpi slt, %add3A_69, %broadcast_in_dim3A_14 : vector<16xi32>
      %select_n3A_71 = arith.select %lt3A_70, %get3A_66, %broadcast_in_dim3A_5 : vector<16xi1>, vector<16xi32>
      %add3A_72 = arith.constant 48 : i32
      %add3A_73 = arith.addi %mul3A_16, %add3A_72 : i32
      %swap3A_74 = arith.index_cast %add3A_73 : i32 to index
      %swap3A_75 = tpu.vector_load %arg5[%swap3A_74] {strides = array<i32>} : memref<6400xi32, #tpu.memory_space<vmem>>, vector<16xi32>,
      %swap3A_76 = vector.shape_cast %swap3A_75 : vector<16xi32> to vector<16xi32>
      %swap3A_77 = vector.shape_cast %select_n3A_71 : vector<16xi32> to vector<16xi32>
      tpu.vector_store %arg5[%swap3A_74], %swap3A_77 {strides = array<i32>} : memref<6400xi32, #tpu.memory_space<vmem>>, vector<16xi32>,
      %add3A_78 = arith.constant 64 : i32
      %add3A_79 = arith.addi %mul3A_16, %add3A_78 : i32
      %get3A_80 = arith.index_cast %add3A_79 : i32 to index
      %get3A_81 = tpu.vector_load %arg5[%get3A_80] {strides = array<i32>} : memref<6400xi32, #tpu.memory_space<vmem>>, vector<16xi32>,
      %get3A_82 = vector.shape_cast %get3A_81 : vector<16xi32> to vector<16xi32>
      %add3A_83 = arith.constant 64 : i32
      %add3A_84 = vector.broadcast %add3A_83 : i32 to vector<16xi32>
      %add3A_85 = arith.addi %iota3A, %add3A_84 : vector<16xi32>
      %lt3A_86 = arith.cmpi slt, %add3A_85, %broadcast_in_dim3A_14 : vector<16xi32>
      %select_n3A_87 = arith.select %lt3A_86, %get3A_82, %broadcast_in_dim3A_5 : vector<16xi1>, vector<16xi32>
      %add3A_88 = arith.constant 64 : i32
      %add3A_89 = arith.addi %mul3A_16, %add3A_88 : i32
      %swap3A_90 = arith.index_cast %add3A_89 : i32 to index
      %swap3A_91 = tpu.vector_load %arg5[%swap3A_90] {strides = array<i32>} : memref<6400xi32, #tpu.memory_space<vmem>>, vector<16xi32>,
      %swap3A_92 = vector.shape_cast %swap3A_91 : vector<16xi32> to vector<16xi32>
      %swap3A_93 = vector.shape_cast %select_n3A_87 : vector<16xi32> to vector<16xi32>
      tpu.vector_store %arg5[%swap3A_90], %swap3A_93 {strides = array<i32>} : memref<6400xi32, #tpu.memory_space<vmem>>, vector<16xi32>,
      %add3A_94 = arith.constant 80 : i32
      %add3A_95 = arith.addi %mul3A_16, %add3A_94 : i32
      %get3A_96 = arith.index_cast %add3A_95 : i32 to index
      %get3A_97 = tpu.vector_load %arg5[%get3A_96] {strides = array<i32>} : memref<6400xi32, #tpu.memory_space<vmem>>, vector<16xi32>,
      %get3A_98 = vector.shape_cast %get3A_97 : vector<16xi32> to vector<16xi32>
      %add3A_99 = arith.constant 80 : i32
      %add3A_100 = vector.broadcast %add3A_99 : i32 to vector<16xi32>
      %add3A_101 = arith.addi %iota3A, %add3A_100 : vector<16xi32>
      %lt3A_102 = arith.cmpi slt, %add3A_101, %broadcast_in_dim3A_14 : vector<16xi32>
      %select_n3A_103 = arith.select %lt3A_102, %get3A_98, %broadcast_in_dim3A_5 : vector<16xi1>, vector<16xi32>
      %add3A_104 = arith.constant 80 : i32
      %add3A_105 = arith.addi %mul3A_16, %add3A_104 : i32
      %swap3A_106 = arith.index_cast %add3A_105 : i32 to index
      %swap3A_107 = tpu.vector_load %arg5[%swap3A_106] {strides = array<i32>} : memref<6400xi32, #tpu.memory_space<vmem>>, vector<16xi32>,
      %swap3A_108 = vector.shape_cast %swap3A_107 : vector<16xi32> to vector<16xi32>
      %swap3A_109 = vector.shape_cast %select_n3A_103 : vector<16xi32> to vector<16xi32>
      tpu.vector_store %arg5[%swap3A_106], %swap3A_109 {strides = array<i32>} : memref<6400xi32, #tpu.memory_space<vmem>>, vector<16xi32>,
      %add3A_110 = arith.constant 96 : i32
      %add3A_111 = arith.addi %mul3A_16, %add3A_110 : i32
      %get3A_112 = arith.index_cast %add3A_111 : i32 to index
      %get3A_113 = tpu.vector_load %arg5[%get3A_112] {strides = array<i32>} : memref<6400xi32, #tpu.memory_space<vmem>>, vector<16xi32>,
      %get3A_114 = vector.shape_cast %get3A_113 : vector<16xi32> to vector<16xi32>
      %add3A_115 = arith.constant 96 : i32
      %add3A_116 = vector.broadcast %add3A_115 : i32 to vector<16xi32>
      %add3A_117 = arith.addi %iota3A, %add3A_116 : vector<16xi32>
      %lt3A_118 = arith.cmpi slt, %add3A_117, %broadcast_in_dim3A_14 : vector<16xi32>
      %select_n3A_119 = arith.select %lt3A_118, %get3A_114, %broadcast_in_dim3A_5 : vector<16xi1>, vector<16xi32>
      %add3A_120 = arith.constant 96 : i32
      %add3A_121 = arith.addi %mul3A_16, %add3A_120 : i32
      %swap3A_122 = arith.index_cast %add3A_121 : i32 to index
      %swap3A_123 = tpu.vector_load %arg5[%swap3A_122] {strides = array<i32>} : memref<6400xi32, #tpu.memory_space<vmem>>, vector<16xi32>,
      %swap3A_124 = vector.shape_cast %swap3A_123 : vector<16xi32> to vector<16xi32>
      %swap3A_125 = vector.shape_cast %select_n3A_119 : vector<16xi32> to vector<16xi32>
      tpu.vector_store %arg5[%swap3A_122], %swap3A_125 {strides = array<i32>} : memref<6400xi32, #tpu.memory_space<vmem>>, vector<16xi32>,
      %add3A_126 = arith.constant 112 : i32
      %add3A_127 = arith.addi %mul3A_16, %add3A_126 : i32
      %get3A_128 = arith.index_cast %add3A_127 : i32 to index
      %get3A_129 = tpu.vector_load %arg5[%get3A_128] {strides = array<i32>} : memref<6400xi32, #tpu.memory_space<vmem>>, vector<16xi32>,
      %get3A_130 = vector.shape_cast %get3A_129 : vector<16xi32> to vector<16xi32>
      %add3A_131 = arith.constant 112 : i32
      %add3A_132 = vector.broadcast %add3A_131 : i32 to vector<16xi32>
      %add3A_133 = arith.addi %iota3A, %add3A_132 : vector<16xi32>
      %lt3A_134 = arith.cmpi slt, %add3A_133, %broadcast_in_dim3A_14 : vector<16xi32>
      %select_n3A_135 = arith.select %lt3A_134, %get3A_130, %broadcast_in_dim3A_5 : vector<16xi1>, vector<16xi32>
      %add3A_136 = arith.constant 112 : i32
      %add3A_137 = arith.addi %mul3A_16, %add3A_136 : i32
      %swap3A_138 = arith.index_cast %add3A_137 : i32 to index
      %swap3A_139 = tpu.vector_load %arg5[%swap3A_138] {strides = array<i32>} : memref<6400xi32, #tpu.memory_space<vmem>>, vector<16xi32>,
      %swap3A_140 = vector.shape_cast %swap3A_139 : vector<16xi32> to vector<16xi32>
      %swap3A_141 = vector.shape_cast %select_n3A_135 : vector<16xi32> to vector<16xi32>
      tpu.vector_store %arg5[%swap3A_138], %swap3A_141 {strides = array<i32>} : memref<6400xi32, #tpu.memory_space<vmem>>, vector<16xi32>,
      %add3A_142 = arith.constant 128 : i32
      %add3A_143 = arith.addi %mul3A_16, %add3A_142 : i32
      %get3A_144 = arith.index_cast %add3A_143 : i32 to index
      %get3A_145 = tpu.vector_load %arg5[%get3A_144] {strides = array<i32>} : memref<6400xi32, #tpu.memory_space<vmem>>, vector<16xi32>,
      %get3A_146 = vector.shape_cast %get3A_145 : vector<16xi32> to vector<16xi32>
      %add3A_147 = arith.constant 128 : i32
      %add3A_148 = vector.broadcast %add3A_147 : i32 to vector<16xi32>
      %add3A_149 = arith.addi %iota3A, %add3A_148 : vector<16xi32>
      %lt3A_150 = arith.cmpi slt, %add3A_149, %broadcast_in_dim3A_14 : vector<16xi32>
      %select_n3A_151 = arith.select %lt3A_150, %get3A_146, %broadcast_in_dim3A_5 : vector<16xi1>, vector<16xi32>
      %add3A_152 = arith.constant 128 : i32
      %add3A_153 = arith.addi %mul3A_16, %add3A_152 : i32
      %swap3A_154 = arith.index_cast %add3A_153 : i32 to index
      %swap3A_155 = tpu.vector_load %arg5[%swap3A_154] {strides = array<i32>} : memref<6400xi32, #tpu.memory_space<vmem>>, vector<16xi32>,
      %swap3A_156 = vector.shape_cast %swap3A_155 : vector<16xi32> to vector<16xi32>
      %swap3A_157 = vector.shape_cast %select_n3A_151 : vector<16xi32> to vector<16xi32>
      tpu.vector_store %arg5[%swap3A_154], %swap3A_157 {strides = array<i32>} : memref<6400xi32, #tpu.memory_space<vmem>>, vector<16xi32>,
      %add3A_158 = arith.constant 144 : i32
      %add3A_159 = arith.addi %mul3A_16, %add3A_158 : i32
      %get3A_160 = arith.index_cast %add3A_159 : i32 to index
      %get3A_161 = tpu.vector_load %arg5[%get3A_160] {strides = array<i32>} : memref<6400xi32, #tpu.memory_space<vmem>>, vector<16xi32>,
      %get3A_162 = vector.shape_cast %get3A_161 : vector<16xi32> to vector<16xi32>
      %add3A_163 = arith.constant 144 : i32
      %add3A_164 = vector.broadcast %add3A_163 : i32 to vector<16xi32>
      %add3A_165 = arith.addi %iota3A, %add3A_164 : vector<16xi32>
      %lt3A_166 = arith.cmpi slt, %add3A_165, %broadcast_in_dim3A_14 : vector<16xi32>
      %select_n3A_167 = arith.select %lt3A_166, %get3A_162, %broadcast_in_dim3A_5 : vector<16xi1>, vector<16xi32>
      %add3A_168 = arith.constant 144 : i32
      %add3A_169 = arith.addi %mul3A_16, %add3A_168 : i32
      %swap3A_170 = arith.index_cast %add3A_169 : i32 to index
      %swap3A_171 = tpu.vector_load %arg5[%swap3A_170] {strides = array<i32>} : memref<6400xi32, #tpu.memory_space<vmem>>, vector<16xi32>,
      %swap3A_172 = vector.shape_cast %swap3A_171 : vector<16xi32> to vector<16xi32>
      %swap3A_173 = vector.shape_cast %select_n3A_167 : vector<16xi32> to vector<16xi32>
      tpu.vector_store %arg5[%swap3A_170], %swap3A_173 {strides = array<i32>} : memref<6400xi32, #tpu.memory_space<vmem>>, vector<16xi32>,
      %add3A_174 = arith.constant 160 : i32
      %add3A_175 = arith.addi %mul3A_16, %add3A_174 : i32
      %get3A_176 = arith.index_cast %add3A_175 : i32 to index
      %get3A_177 = tpu.vector_load %arg5[%get3A_176] {strides = array<i32>} : memref<6400xi32, #tpu.memory_space<vmem>>, vector<16xi32>,
      %get3A_178 = vector.shape_cast %get3A_177 : vector<16xi32> to vector<16xi32>
      %add3A_179 = arith.constant 160 : i32
      %add3A_180 = vector.broadcast %add3A_179 : i32 to vector<16xi32>
      %add3A_181 = arith.addi %iota3A, %add3A_180 : vector<16xi32>
      %lt3A_182 = arith.cmpi slt, %add3A_181, %broadcast_in_dim3A_14 : vector<16xi32>
      %select_n3A_183 = arith.select %lt3A_182, %get3A_178, %broadcast_in_dim3A_5 : vector<16xi1>, vector<16xi32>
      %add3A_184 = arith.constant 160 : i32
      %add3A_185 = arith.addi %mul3A_16, %add3A_184 : i32
      %swap3A_186 = arith.index_cast %add3A_185 : i32 to index
      %swap3A_187 = tpu.vector_load %arg5[%swap3A_186] {strides = array<i32>} : memref<6400xi32, #tpu.memory_space<vmem>>, vector<16xi32>,
      %swap3A_188 = vector.shape_cast %swap3A_187 : vector<16xi32> to vector<16xi32>
      %swap3A_189 = vector.shape_cast %select_n3A_183 : vector<16xi32> to vector<16xi32>
      tpu.vector_store %arg5[%swap3A_186], %swap3A_189 {strides = array<i32>} : memref<6400xi32, #tpu.memory_space<vmem>>, vector<16xi32>,
      %add3A_190 = arith.constant 176 : i32
      %add3A_191 = arith.addi %mul3A_16, %add3A_190 : i32
      %get3A_192 = arith.index_cast %add3A_191 : i32 to index
      %get3A_193 = tpu.vector_load %arg5[%get3A_192] {strides = array<i32>} : memref<6400xi32, #tpu.memory_space<vmem>>, vector<16xi32>,
      %get3A_194 = vector.shape_cast %get3A_193 : vector<16xi32> to vector<16xi32>
      %add3A_195 = arith.constant 176 : i32
      %add3A_196 = vector.broadcast %add3A_195 : i32 to vector<16xi32>
      %add3A_197 = arith.addi %iota3A, %add3A_196 : vector<16xi32>
      %lt3A_198 = arith.cmpi slt, %add3A_197, %broadcast_in_dim3A_14 : vector<16xi32>
      %select_n3A_199 = arith.select %lt3A_198, %get3A_194, %broadcast_in_dim3A_5 : vector<16xi1>, vector<16xi32>
      %add3A_200 = arith.constant 176 : i32
      %add3A_201 = arith.addi %mul3A_16, %add3A_200 : i32
      %swap3A_202 = arith.index_cast %add3A_201 : i32 to index
      %swap3A_203 = tpu.vector_load %arg5[%swap3A_202] {strides = array<i32>} : memref<6400xi32, #tpu.memory_space<vmem>>, vector<16xi32>,
      %swap3A_204 = vector.shape_cast %swap3A_203 : vector<16xi32> to vector<16xi32>
      %swap3A_205 = vector.shape_cast %select_n3A_199 : vector<16xi32> to vector<16xi32>
      tpu.vector_store %arg5[%swap3A_202], %swap3A_205 {strides = array<i32>} : memref<6400xi32, #tpu.memory_space<vmem>>, vector<16xi32>,
      %add3A_206 = arith.constant 184 : i32
      %add3A_207 = arith.addi %mul3A_16, %add3A_206 : i32
      %get3A_208 = arith.index_cast %add3A_207 : i32 to index
      %get3A_209 = tpu.vector_load %arg5[%get3A_208] {strides = array<i32>} : memref<6400xi32, #tpu.memory_space<vmem>>, vector<16xi32>,
      %get3A_210 = vector.shape_cast %get3A_209 : vector<16xi32> to vector<16xi32>
      %add3A_211 = arith.constant 184 : i32
      %add3A_212 = vector.broadcast %add3A_211 : i32 to vector<16xi32>
      %add3A_213 = arith.addi %iota3A, %add3A_212 : vector<16xi32>
      %lt3A_214 = arith.cmpi slt, %add3A_213, %broadcast_in_dim3A_14 : vector<16xi32>
      %select_n3A_215 = arith.select %lt3A_214, %get3A_210, %broadcast_in_dim3A_5 : vector<16xi1>, vector<16xi32>
      %add3A_216 = arith.constant 184 : i32
      %add3A_217 = arith.addi %mul3A_16, %add3A_216 : i32
      %swap3A_218 = arith.index_cast %add3A_217 : i32 to index
      %swap3A_219 = tpu.vector_load %arg5[%swap3A_218] {strides = array<i32>} : memref<6400xi32, #tpu.memory_space<vmem>>, vector<16xi32>,
      %swap3A_220 = vector.shape_cast %swap3A_219 : vector<16xi32> to vector<16xi32>
      %swap3A_221 = vector.shape_cast %select_n3A_215 : vector<16xi32> to vector<16xi32>
      tpu.vector_store %arg5[%swap3A_218], %swap3A_221 {strides = array<i32>} : memref<6400xi32, #tpu.memory_space<vmem>>, vector<16xi32>,
    }
    %scan3A_10 = arith.constant 32 : i32
    "tpu.region"() ({
      %run_scoped3A = tpu.sem_alloc : memref<!tpu.dma_semaphore, #tpu.memory_space<semaphore_mem>>
      %dma_start3A = tpu.memref_slice %arg4[%mul3A_2] : memref<204800xi32, #tpu.memory_space<hbm>> -> memref<6400xi32, #tpu.memory_space<hbm>>
      %dma_start3A_11 = tpu.memref_slice %arg4[%mul3A_2] : memref<204800xi32, #tpu.memory_space<hbm>> -> memref<6400xi32, #tpu.memory_space<hbm>>
      tpu.enqueue_dma source(%arg5 : memref<6400xi32, #tpu.memory_space<vmem>>) target(%dma_start3A_11 : memref<6400xi32, #tpu.memory_space<hbm>>) target_semaphore(%run_scoped3A : memref<!tpu.dma_semaphore, #tpu.memory_space<semaphore_mem>>)
      %dma_wait3A = tpu.memref_slice %arg4[%mul3A_2] : memref<204800xi32, #tpu.memory_space<hbm>> -> memref<6400xi32, #tpu.memory_space<hbm>>
      %dma_wait3A_12 = tpu.memref_slice %arg4[%mul3A_2] : memref<204800xi32, #tpu.memory_space<hbm>> -> memref<6400xi32, #tpu.memory_space<hbm>>
      tpu.wait_dma2 semaphore(%run_scoped3A : memref<!tpu.dma_semaphore, #tpu.memory_space<semaphore_mem>>) src(%arg5 : memref<6400xi32, #tpu.memory_space<vmem>>) dst(%dma_wait3A_12 : memref<6400xi32, #tpu.memory_space<hbm>>)
      tpu.yield
    }) : () -> ()
    return
  }
}

</mosaic_0001>

<sc_bundles>
// kernel: _sc_mask.3.cloned.1.call-start
scs
__scs_entry_jumppad:
0x0: {  	(pc) =	sbr.rel $0x88, $3  }
0x1: {  	(tag) =	ssettag $0x0;
	lr =	simm.s32 $0x1  }
0x2: {  	[smem:$0x3F9F] =	sst lr;
	_ =	strace $0xD0000000  }
0x3: {  	_ = 	snop  }
0x4: {  	_ = 	snop  }
0x5: {  	_ = 	snop  }
0x6: {  	_ = 	snop  }
0x7: {  	_ = 	snop  }
__scs_overlays_trampoline_lowered:
0x8: {  	[smem:$0x3FAE] =	sst s0  }
0x9: {  	[smem:$0x3FAF] =	sst s1  }
0xa: {  	[smem:$0x3FB0] =	sst s2  }
0xb: {  	[smem:$0x3FB1] =	sst s3  }
0xc: {  	[smem:$0x3FB2] =	sst s4  }
0xd: {  	[smem:$0x3FB3] =	sst s5  }
0xe: {  	[smem:$0x3FB4] =	sst s6  }
0xf: {  	[smem:$0x3FB5] =	sst s7  }
0x10: {  	[smem:$0x3FB6] =	sst s8  }
0x11: {  	[smem:$0x3FB7] =	sst s9;
	s0 =	simm.s32 @!p0 $0x0  }
0x12: {  	s1 =	sld [smem:$0x3F9D];
	s0 =	simm.s32 @p0 $0x1  }
0x13: {  	[smem:$0x3FB8] =	sst s0;
	s0 =	simm.s32 @!p1 $0x0  }
0x14: {  	s2 =	sld [smem:$0x3F9C];
	s0 =	simm.s32 @p1 $0x1  }
0x15: {  	[smem:$0x3FB9] =	sst s0;
	s0 =	simm.s32 @!p2 $0x0  }
0x16: {  	s3 =	sld [smem:$0x3FDB];
	s0 =	simm.s32 @p2 $0x1  }
0x17: {  	s4 =	simm.s32 $0x1BF5;
	[smem:$0x3FBB] =	sst s0  }
0x18: {  	s0 =	sld [smem:$0x3F9E];
	_ =	swait.ge [sflag:s4], $0x0  }
0x19: {  	s7 =	sld [smem:$0x3F9F]  }
0x1a: {  	s8 =	sadd.s32 $0xFFFFE003, lr  }
0x1b: {  	s9 =	sadd.s32 $0xFFFFFEF7, lr;
	s5 =	simm.s32 $0xFFFFFFFF;
	p2 =	slt.u32 s8, $0xFFFFF086  }
0x1c: {  	p1 =	slt.u32 s9, $0xF7A;
	s5 =	simm.s32 @!p2 $0x0  }
0x1d: {  	s5 =	simm.s32 @p1 $0x1;
	p0 =	seq.s32 s7, s2  }
0x1e: {  	s7 =	smul.u32 @!p0 $0xF7A, s2;
	p2 =	seq.s32 @!p0 s5, $0x0  }
0x1f: {  	s9 =	smul.u32 $0xF7A, s1;
	s8 =	simm.s32 @!p0 $0x1BF5;
	p2 =	por !p2, p0  }
0x20: {  	[sflag:s8] =	ssyncset.s32 @!p0 $0xFFFFF086;
	s6 =	sadd.s32 @!p0 s3, s7;
	s7 =	simm.s32 @!p0 $0x108  }
0x21: {  	s3 =	sadd.s32 s3, s9;
	s6 =	sadd.s32 @!p0 $0x88, s6;
	s7 =	simm.s32 @p2 $0x1082  }
0x22: {  	[simem:s7], [sflag:s8] =	dma.local @!p0 [hbm:s6], $0xF7A  }
0x23: {  	s9 =	sor.u32 $0xD0000000, s2;
	s6 =	simm.s32 $0x108;
	_ =	swait.ge @!p0 [sflag:s8], $0x0  }
0x24: {  	s3 =	sadd.s32 $0x88, s3;
	s6 =	simm.s32 @!p1 $0x1082;
	[sflag:s4] =	ssyncset.s32 $0xFFFFF086  }
0x25: {  	[simem:s6], [sflag:s4] =	dma.local [hbm:s3], $0xF7A  }
0x26: {  	[smem:$0x3F9F] =	sst s1;
	(tag) =	ssettag s2;
	_ =	strace s9  }
0x27: {  	s1 =	sld [smem:$0x3FAF]  }
0x28: {  	s2 =	sld [smem:$0x3FB0]  }
0x29: {  	s4 =	sld [smem:$0x3FB2]  }
0x2a: {  	p0 =	seq.s32 s5, $0x0;
	s5 =	sld [smem:$0x3FB3]  }
0x2b: {  	s6 =	sld [smem:$0x3FB4]  }
0x2c: {  	s7 =	sld [smem:$0x3FB5]  }
0x2d: {  	s3 =	simm.s32 $0x108;
	s8 =	sld [smem:$0x3FB6]  }
0x2e: {  	s3 =	simm.s32 @!p0 $0x1082;
	s9 =	sld [smem:$0x3FB7]  }
0x2f: {  	lr =	sadd.s32 s0, s3;
	s0 =	sld [smem:$0x3FAE]  }
0x30: {  	s3 =	sld [smem:$0x3FB1]  }
0x31: {  	[smem:$0x3FBA] =	sst s10  }
0x32: {  	s10 =	sld [smem:$0x3FB8];
	_ =	sdelay $0x3  }
0x33: {  	p0 =	seq.s32 s10, $0x1;
	s10 =	sld [smem:$0x3FBA];
	_ =	sdelay $0x3  }
0x34: {  	[smem:$0x3FBA] =	sst s10  }
0x35: {  	s10 =	sld [smem:$0x3FB9];
	_ =	sdelay $0x3  }
0x36: {  	p1 =	seq.s32 s10, $0x1;
	s10 =	sld [smem:$0x3FBA];
	_ =	sdelay $0x3  }
0x37: {  	[smem:$0x3FBA] =	sst s10  }
0x38: {  	s10 =	sld [smem:$0x3FBB]  }
0x39: {  	_ = 	snop;
	(pc) =	sbr.ind lr, $3  }
0x3a: {  	_ = 	snop  }
0x3b: {  	_ = 	snop  }
0x3c: {  	p2 =	seq.s32 s10, $0x1;
	s10 =	sld [smem:$0x3FBA]  }
0x3d: {  	_ =	shalt  }
0x3e: {  	_ =	shalt  }
0x3f: {  	_ =	shalt  }
0x40: {  	_ =	shalt  }
0x41: {  	_ =	shalt  }
0x42: {  	_ =	shalt  }
0x43: {  	_ =	shalt  }
0x44: {  	_ =	shalt  }
0x45: {  	_ =	shalt  }
0x46: {  	_ =	shalt  }
0x47: {  	_ =	shalt  }
0x48: {  	_ =	shalt  }
0x49: {  	_ =	shalt  }
0x4a: {  	_ =	shalt  }
0x4b: {  	_ =	shalt  }
0x4c: {  	_ =	shalt  }
0x4d: {  	_ =	shalt  }
0x4e: {  	_ =	shalt  }
0x4f: {  	_ =	shalt  }
0x50: {  	_ =	shalt  }
0x51: {  	_ =	shalt  }
0x52: {  	_ =	shalt  }
0x53: {  	_ =	shalt  }
0x54: {  	_ =	shalt  }
0x55: {  	_ =	shalt  }
0x56: {  	_ =	shalt  }
0x57: {  	_ =	shalt  }
0x58: {  	_ =	shalt  }
0x59: {  	_ =	shalt  }
0x5a: {  	_ =	shalt  }
0x5b: {  	_ =	shalt  }
0x5c: {  	_ =	shalt  }
0x5d: {  	_ =	shalt  }
0x5e: {  	_ =	shalt  }
0x5f: {  	_ =	shalt  }
0x60: {  	_ =	shalt  }
0x61: {  	_ =	shalt  }
0x62: {  	_ =	shalt  }
0x63: {  	_ =	shalt  }
0x64: {  	_ =	shalt  }
0x65: {  	_ =	shalt  }
0x66: {  	_ =	shalt  }
0x67: {  	_ =	shalt  }
0x68: {  	_ =	shalt  }
0x69: {  	_ =	shalt  }
0x6a: {  	_ =	shalt  }
0x6b: {  	_ =	shalt  }
0x6c: {  	_ =	shalt  }
0x6d: {  	_ =	shalt  }
0x6e: {  	_ =	shalt  }
0x6f: {  	_ =	shalt  }
0x70: {  	_ =	shalt  }
0x71: {  	_ =	shalt  }
0x72: {  	_ =	shalt  }
0x73: {  	_ =	shalt  }
0x74: {  	_ =	shalt  }
0x75: {  	_ =	shalt  }
0x76: {  	_ =	shalt  }
0x77: {  	_ =	shalt  }
0x78: {  	_ =	shalt  }
0x79: {  	_ =	shalt  }
0x7a: {  	_ =	shalt  }
0x7b: {  	_ =	shalt  }
0x7c: {  	_ =	shalt  }
0x7d: {  	_ =	shalt  }
0x7e: {  	_ =	shalt  }
0x7f: {  	_ =	shalt  }
0x80: {  	_ =	shalt  }
0x81: {  	_ =	shalt  }
0x82: {  	_ =	shalt  }
0x83: {  	_ =	shalt  }
0x84: {  	_ =	shalt  }
0x85: {  	_ =	shalt  }
0x86: {  	_ =	shalt  }
0x87: {  	_ =	shalt  }
.Lfunc_end0:
.L_simem_size_0:
called_computation_lowered:
.L_overlay_start_0:
0x88: {  	s2 =	sld [smem:$0x3FD9]  }
0x89: {  	s3 =	sld [smem:$0x3FFE];
	_ =	sdelay $0x1  }
0x8a: {  	s1 =	srdreg.scid  }
0x8b: {  	s0 =	sand.u32 $0x1, s1  }
0x8c: {  	s18 =	sshll.u32 s0, $0xA;
	s2 =	sadd.s32 s3, s2  }
0x8d: {  	s2 =	sadd.s32 s2, s18  }
0x8e: {  	[smem:$0x3FC6] =	sst s2  }
0x8f: {  	_ = 	snop  }
0x90: {  	s2 =	sld [smem:$0x3FC9]  }
0x91: {  	s19 =	sld [smem:$0x3FC8]  }
0x92: {  	s4 =	sld [smem:$0x3FD0];
	(tm) =	ssettm $0x1  }
0x93: {  	s5 =	sld [smem:$0x3FFB];
	_ =	sdelay $0x3  }
0x94: {  	_ =	strace s5  }
0x95: {  	s5 =	sld [smem:$0x3FFC];
	_ =	sdelay $0x3  }
0x96: {  	_ =	strace s5  }
0x97: {  	s5 =	sld [smem:$0x3FFD];
	_ =	sdelay $0x3  }
0x98: {  	_ =	strace s5  }
0x99: {  	_ =	strace $0x8FFFFFFF  }
0x9a: {  	s20 =	sld [smem:$0x3FDB];
	_ =	sdelay $0x1  }
0x9b: {  	s6 =	simm.s32 $_scs_section_size  }
0x9c: {  	s7 =	simm.s32 $_size__tile_overlayer_lowered;
	s8 =	simm.s32 $_tile_overlayer_lowered  }
0x9d: {  	s23 =	simm.s32 $0x1BFF;
	s22 =	sshll.u32 s8, $0x1;
	s5 =	sadd.s32 s6, s20  }
0x9e: {  	s9 =	simm.s32 $0x0;
	s21 =	sshll.u32 s7, $0x1;
	s7 =	sadd.s32 s22, s5  }
0x9f: {  	[timem:s9], [sflag:s23] =	dma.local [hbm:s7], s21  }
0xa0: {  	_ =	swait.ge [sflag:s23], s21  }
0xa1: {  	s6 =	ssub.s32 $0x0, s21;
	[sflag:s23] =	ssyncset.done $0x0  }
0xa2: {  	[sflag:s23] =	ssyncadd.s32 s6;
	_ =	sdelay $0x1  }
0xa3: {  	s24 =	simm.s32 $0x1B8B  }
0xa4: {  	_ =	swait.ge [sflag:s24], $0x1  }
0xa5: {  	[sflag:s24] =	ssyncset.done $0x0  }
0xa6: {  	s25 =	simm.s32 $0x1B8E;
	[sflag:s24] =	ssyncadd.s32 $0xFFFFFFFF  }
0xa7: {  	s26 =	simm.s32 $execute0_lowered;
	[smem:$0x3FD2] =	sst s25  }
0xa8: {  	s6 =	sshll.u32 s26, $0x1;
	_ =	strace $0x80000046;
	[dreg:$0x1] =	wrdreg $0xFFFFFFFF  }
0xa9: {  	s28 =	simm.s32 $_size_execute0_lowered;
	s5 =	sadd.s32 s5, s6;
	[dreg:$0x0] =	wrdreg $0x0  }
0xaa: {  	s6 =	sshll.u32 s28, $0x1;
	[dreg:$0x2] =	wrdreg s5  }
0xab: {  	[dreg:$0x3] =	wrdreg s6  }
0xac: {  	[dreg:$0x4] =	wrdreg $0xC0  }
0xad: {  	_ =	task [dreg:s9], $0x5FFFF  }
0xae: {  	[dreg:$0x1] =	wrdreg $0xFFFFFFFF  }
0xaf: {  	[dreg:$0x0] =	wrdreg $0x60  }
0xb0: {  	[dreg:$0x2] =	wrdreg s2  }
0xb1: {  	[dreg:$0x3] =	wrdreg s19  }
0xb2: {  	[dreg:$0x4] =	wrdreg s4  }
0xb3: {  	[dreg:$0x5] =	wrdreg $0x9  }
0xb4: {  	_ =	task.clear_ibuf [dreg:s9], $0x6FFFF;
	_ =	strace $0x90000046  }
0xb5: {  	s29 =	simm.s32 $0x9;
	_ =	strace $0x80000048  }
0xb6: {  	_ =	swait.ge [sflag:s29], $0x1  }
0xb7: {  	[sflag:s29] =	ssyncadd.s32 $0xFFFFFFFF  }
0xb8: {  	_ =	strace $0x90000048  }
0xb9: {  	_ =	sfence  }
0xba: {  	s30 =	sld [smem:$0x0];
	_ =	sdelay $0x2  }
0xbb: {  	s31 =	sshll.u32 s1, $0xD;
	s1 =	sshrl.u32 s1, $0x2  }
0xbc: {  	s3 =	sand.u32 $0x4000, s31;
	s1 =	sadd.s32 s1, s30  }
0xbd: {  	s0 =	sor.u32 s3, s0;
	s1 =	sshll.u32 s1, $0x11  }
0xbe: {  	s0 =	sor.u32 s1, s0  }
0xbf: {  	s0 =	sadd.s32 $0x8F2B, s0  }
0xc0: {  	[sflag:s0] =	ssyncadd.remote.s32 $0x1  }
0xc1: {  	_ =	sfence.sel $0xFFFF  }
0xc2: {  	[dreg:$0x0] =	wrdreg $0xFFFFFFFF;
	(pc) =	sbr.abs _section_cstart, $3  }
0xc3: {  	[dreg:$0x1] =	wrdreg $0xFFFFFFFF  }
0xc4: {  	_ =	task.clear_ibuf [dreg:s9], $0x2FFFF;
	_ =	strace $0x9FFFFFFF  }
0xc5: {  	(tm) =	ssettm $0x7FFFFFFF  }
tec
execute0_lowered:
.L_overlay_start_1:
0x0: {  	(tag) =	ssettag $0x1  }
0x1: {  	s4 =	rddreg [dreg:$0x0]  }
0x2: {  	s3 =	rddreg [dreg:$0x1]  }
0x3: {  	s5 =	rddreg [dreg:$0x2]  }
0x4: {  	s0 =	rddreg [dreg:$0x3]  }
0x5: {  	s6 =	srdreg.scid;
	s1 =	stileid.u32  }
0x6: {  	s2 =	simm.s32 $0x0;
	s6 =	sand.u32 $0x1, s6;
	s7 =	sshll.u32 s1, $0x1  }
0x7: {  	v0 =	vlaneseq.u32;
	[smem:$0x7FF] =	sst s2;
	s8 =	ssub.s32 $0x2, s6;
	s6 =	sor.u32 s6, s7  }
0x8: {  	v1 =	vor.u32 $0x10, v0;
	v2 =	vor.u32 $0x20, v0;
	v3 =	vor.u32 $0x30, v0;
	s31 =	sshrl.u32 s8, $0x1;
	s9 =	sshll.u32 s6, $0x2;
	s6 =	smul.u32 $0x320, s6  }
0x9: {  	v4 =	vor.u32 $0x40, v0;
	v5 =	vor.u32 $0x50, v0;
	v6 =	vor.u32 $0x60, v0;
	_ =	strace $0x80000047;
	s7 =	ssub.s32 s8, s31;
	s3 =	sadd.s32 s3, s9  }
0xa: {  	v7 =	vor.u32 $0x70, v0;
	v8 =	vor.u32 $0x80, v0;
	v9 =	vor.u32 $0x90, v0;
	s8 =	simm.s32 $0x1;
	s9 =	simm.s32 $0x0;
	s4 =	sadd.s32 s4, s6  }
0xb: {  	v10 =	vor.u32 $0xA0, v0;
	v11 =	vor.u32 $0xB0, v0;
	v12 =	vadd.s32 $0xB8, v0;
	s5 =	sadd.s32 s5, s6;
	s6 =	smax.u32 s7, $0x1;
	s7 =	simm.s32 $0x1900  }
.LBB2_1:
0xc: {  	[tilespmem:s7], [sflag:$0x1] =	stream.linear.gather [hbm4b:s3+s2], $0x20, $0x38;
	[tilespmem:$0x1930] =	vst v63  }
0xd: {  	_ =	swait.ge [sflag:s8], $0x20  }
0xe: {  	[sflag:s8] =	ssyncset.done $0x0  }
0xf: {  	[sflag:s8] =	ssyncadd.s32 $0xFFFFFFE0  }
0x10: {  	[tilespmem:s2], [sflag:$0x1] =	stream.linear.gather [hbm4b:s4+s2], $0x1900, $0x38;
	[tilespmem:$0x1930] =	vst v63  }
0x11: {  	_ =	swait.ge [sflag:s8], $0x1900  }
0x12: {  	[sflag:s8] =	ssyncset.done $0x0  }
0x13: {  	s11 =	simm.s32 $0x60;
	[sflag:s8] =	ssyncadd.s32 $0xFFFFE700  }
0x14: {  	v14 =	vld [tilespmem:s11+$0xFFFFFFC0]  }
0x15: {  	v19 =	vld [tilespmem:s11+$0xFFFFFFD0]  }
0x16: {  	v18 =	vld [tilespmem:s11+$0xFFFFFFA0]  }
0x17: {  	v16 =	vld [tilespmem:s11+$0x10]  }
0x18: {  	s10 =	simm.s32 $0x0;
	v17 =	vld [tilespmem:s11+$0x50]  }
0x19: {  	v15 =	vld.msk [tilespmem:s10+$0x1900 ss:$0x0], $0xffff  }
0x1a: {  	v13 =	vld [tilespmem:s11+$0xFFFFFFB0]  }
0x1b: {  	v20 =	vld [tilespmem:s11+$0x20]  }
0x1c: {  	s12 =	simm.s32 $0x4;
	v21 =	vld [tilespmem:s11+$0x30];
	s10 =	simm.s32 $0x60  }
.LBB2_2:
0x1d: {  	p0 =	sne.s32 s12, $0x7C  }
0x1e: {  	s11 =	sadd.s32 $0xC8, s11;
	s13 =	smov.u32 s12;
	s12 =	sadd.s32 $0x4, s12  }
0x1f: {  	vm0 =	vgt.s32 v15, v0;
	vm1 =	vgt.s32 v15, v3;
	vm2 =	vgt.s32 v15, v8;
	v22 =	vld [tilespmem:s10+$0x40]  }
0x20: {  	v19 =	vnsel vm1, $0x186A0, v19;
	vm1 =	vgt.s32 v15, v9;
	v20 =	vnsel vm2, $0x186A0, v20  }
0x21: {  	v18 =	vnsel vm0, $0x186A0, v18;
	vm0 =	vgt.s32 v15, v5;
	[tilespmem:s10+$0xFFFFFFD0] =	vst v19;
	v19 =	vld [tilespmem:s10+$0xFFFFFFF0];
	v21 =	vnsel vm1, $0x186A0, v21  }
0x22: {  	vm3 =	vgt.s32 v15, v11;
	vm2 =	vgt.s32 v15, v7;
	vm1 =	vgt.s32 v15, v6;
	[tilespmem:s10+$0x30] =	vst v21  }
0x23: {  	s13 =	sshra.s32 s13, $0x2;
	v17 =	vnsel vm3, $0x186A0, v17;
	v16 =	vnsel vm2, $0x186A0, v16;
	vm2 =	vgt.s32 v15, v10;
	v21 =	vld [tilespmem:s10+$0x0];
	[tilespmem:s10+$0x20] =	vst v20  }
0x24: {  	vm3 =	vgt.s32 v15, v2;
	v22 =	vnsel vm2, $0x186A0, v22;
	v20 =	vld [tilespmem:s10+$0xFFFFFFE0];
	[tilespmem:s10+$0x50] =	vst v17  }
0x25: {  	v14 =	vnsel vm3, $0x186A0, v14;
	[tilespmem:s10+$0xFFFFFFA0] =	vst v18;
	v17 =	vld [tilespmem:s10+$0x58]  }
0x26: {  	[tilespmem:s10+$0xFFFFFFC0] =	vst v14;
	v18 =	vnsel vm0, $0x186A0, v19  }
0x27: {  	v14 =	vld [tilespmem:s11+$0xFFFFFFC0];
	[tilespmem:s10+$0xFFFFFFF0] =	vst v18  }
0x28: {  	v18 =	vnsel vm1, $0x186A0, v21;
	[tilespmem:s10+$0x40] =	vst v22  }
0x29: {  	vm2 =	vgt.s32 v15, v12;
	vm0 =	vgt.s32 v15, v1;
	vm1 =	vgt.s32 v15, v4;
	[tilespmem:s10+$0x0] =	vst v18  }
0x2a: {  	v13 =	vnsel vm0, $0x186A0, v13;
	v15 =	vnsel vm1, $0x186A0, v20;
	v19 =	vld [tilespmem:s11+$0xFFFFFFD0];
	[tilespmem:s10+$0x10] =	vst v16;
	v17 =	vnsel vm2, $0x186A0, v17  }
0x2b: {  	v18 =	vld [tilespmem:s11+$0xFFFFFFA0];
	[tilespmem:s10+$0xFFFFFFE0] =	vst v15  }
0x2c: {  	v16 =	vld [tilespmem:s11+$0x10];
	[tilespmem:s10+$0x58] =	vst v17  }
.Ltmp0:
0x2d: {  	v17 =	vld [tilespmem:s11+$0x50];
	[tilespmem:s10+$0xFFFFFFB0] =	vst v13;
	s10 =	smov.u32 s11;
	(pc) =	sbr.rel @p0 .LBB2_2-.Ltmp0, $4  }
0x2e: {  	v15 =	vld.msk [tilespmem:s13+$0x1900 ss:$0x0], $0xffff  }
0x2f: {  	v13 =	vld [tilespmem:s11+$0xFFFFFFB0]  }
0x30: {  	v20 =	vld [tilespmem:s11+$0x20]  }
0x31: {  	v21 =	vld [tilespmem:s11+$0x30]  }
0x32: {  	_ = 	snop  }
0x33: {  	vm0 =	vgt.s32 v15, v3  }
0x34: {  	vm7 =	vgt.s32 v15, v11;
	v19 =	vnsel vm0, $0x186A0, v19  }
0x35: {  	vm1 =	vgt.s32 v15, v0;
	v17 =	vnsel vm7, $0x186A0, v17;
	[tilespmem:s10+$0xFFFFFFD0] =	vst v19  }
0x36: {  	vm8 =	vgt.s32 v15, v2;
	v18 =	vnsel vm1, $0x186A0, v18;
	[tilespmem:s10+$0x50] =	vst v17  }
0x37: {  	v58 =	vld [tilespmem:s10+$0xFFFFFFF0];
	vm12 =	vgt.s32 v15, v7;
	v14 =	vnsel vm8, $0x186A0, v14;
	[tilespmem:s10+$0xFFFFFFA0] =	vst v18  }
0x38: {  	v22 =	vld [tilespmem:s10+$0x40];
	vm15 =	vgt.s32 v15, v1;
	v16 =	vnsel vm12, $0x186A0, v16;
	[tilespmem:s10+$0xFFFFFFC0] =	vst v14  }
0x39: {  	v60 =	vld [tilespmem:s10+$0x0];
	vm6 =	vgt.s32 v15, v8;
	v13 =	vnsel vm15, $0x186A0, v13;
	[tilespmem:s10+$0x10] =	vst v16  }
0x3a: {  	v61 =	vld [tilespmem:s10+$0xFFFFFFE0];
	vm5 =	vgt.s32 v15, v9;
	v59 =	vnsel vm6, $0x186A0, v20;
	[tilespmem:s10+$0xFFFFFFB0] =	vst v13  }
0x3b: {  	vm9 =	vgt.s32 v15, v5;
	v57 =	vnsel vm5, $0x186A0, v21;
	[tilespmem:s10+$0x20] =	vst v59;
	v62 =	vld [tilespmem:s10+$0x58]  }
0x3c: {  	vm10 =	vgt.s32 v15, v10;
	[tilespmem:s10+$0x30] =	vst v57;
	v14 =	vnsel vm9, $0x186A0, v58  }
0x3d: {  	vm11 =	vgt.s32 v15, v6;
	v63 =	vnsel vm10, $0x186A0, v22;
	[tilespmem:s10+$0xFFFFFFF0] =	vst v14  }
0x3e: {  	vm13 =	vgt.s32 v15, v4;
	v14 =	vnsel vm11, $0x186A0, v60;
	[tilespmem:s10+$0x40] =	vst v63  }
0x3f: {  	s9 =	sadd.s32 $0x1, s9;
	vm14 =	vgt.s32 v15, v12;
	[tilespmem:s10+$0x0] =	vst v14;
	v14 =	vnsel vm13, $0x186A0, v61  }
0x40: {  	p0 =	sne.s32 s9, s6;
	[tilespmem:s10+$0xFFFFFFE0] =	vst v14;
	v15 =	vnsel vm14, $0x186A0, v62  }
.Ltmp1:
0x41: {  	[tilespmem:s10+$0x58] =	vst v15;
	(pc) =	sbr.rel @p0 .LBB2_1-.Ltmp1, $4  }
0x42: {  	[hbm4b:s5+s2] =	stream.linear.scatter [tilespmem:s2], [sflag:$0x1], $0x1900, $0x38;
	[tilespmem:$0x1930] =	vst v63  }
0x43: {  	_ =	swait.ge [sflag:s8], $0x1900  }
0x44: {  	[sflag:s8] =	ssyncset.done $0x0  }
0x45: {  	[sflag:s8] =	ssyncadd.s32 $0xFFFFE700  }
0x46: {  	_ =	sfence.sel $0x180000  }
0x47: {  	[bflag:$0x0] =	sbarrier.arrive $0xFFFF  }
0x48: {  	p0 =	sne.s32 s1, $0x0;
	_ =	strace $0x90000047  }
0x49: {  	s0 =	sadd.s32 @!p0 $0x100000, s0;
	[bflag:$0x2] =	sbarrier.arrive $0xFFFF  }
0x4a: {  	[sflag:s0] =	ssyncadd.tile.s32 @!p0 $0x1;
	_ =	shalt  }
.Lfunc_end2:
_tile_overlayer_lowered:
.L_overlay_start_2:
0x4b: {  	(tag) =	ssettag $0x2  }
0x4c: {  	s0 =	rddreg [dreg:$0x0];
	s2 =	stileid.u32  }
0x4d: {  	s1 =	rddreg [dreg:$0x1];
	p0 =	sne.s32 s2, $0x0  }
0x4e: {  	s3 =	rddreg [dreg:$0x2];
	[bflag:$0x3] =	sbarrier.arrive $0xFFFF;
	s2 =	simm.s32 @!p0 $0x1C01  }
0x4f: {  	[timem:s3], [sflag:s2] =	dma.local @!p0 [hbm:s0], s1  }
0x50: {  	s0 =	simm.s32 @!p0 $0x1  }
0x51: {  	_ =	swait.ge @!p0 [sflag:s0], s1  }
0x52: {  	s1 =	ssub.s32 @!p0 $0x0, s1;
	[sflag:s0] =	ssyncset.done @!p0 $0x0  }
0x53: {  	[sflag:s0] =	ssyncadd.s32 @!p0 s1  }
0x54: {  	[bflag:$0x3] =	sbarrier.arrive $0xFFFF  }
0x55: {  	_ =	shalt  }

</sc_bundles>
